<compile_context>
chip_gen: v7x
topology: tpu7x:2x2x1
jax: 0.10.2.dev20260603
libtpu: 0.0.44.dev20260713+nightly
codegen_flags: <defaults>
</compile_context>

<pallas_src>
import jax
import jax.numpy as jnp
from jax import lax
from jax.experimental import pallas as pl
from jax.experimental.pallas import tpu as pltpu
from jax.experimental.pallas import tpu_sc as plsc

_MAX_REL = 128
_SQ = 2048
_TQ = 256
_TK = 256
_L = 512
_ND = 15
_SHIFT = _SQ - _MAX_REL - 1


def _sc_windows(t_hbm, f_hbm, t_v, row_v):
    wid = lax.axis_index("s") * 2 + lax.axis_index("c")

    @pl.when(wid < _ND)
    def _():
        pltpu.sync_copy(t_hbm, t_v)
        lane = lax.iota(jnp.int32, 16)

        def chunk(c, carry):
            idx = jnp.clip(256 * wid + 16 * c + lane - _SHIFT, 0, 2 * _MAX_REL)
            row_v[pl.ds(16 * c, 16)] = plsc.load_gather(t_v, [idx])
            return carry

        lax.fori_loop(0, _L // 16, chunk, 0)
        pltpu.sync_copy(row_v, f_hbm.at[wid, 0])


def _build_windows(relative_biases):
    mesh = plsc.VectorSubcoreMesh(core_axis_name="c", subcore_axis_name="s")
    cp = pltpu.CompilerParams(needs_layout_passes=False)
    return pl.kernel(
        _sc_windows,
        mesh=mesh,
        compiler_params=cp,
        out_type=jax.ShapeDtypeStruct((_ND, 1, _L), jnp.float32),
        scratch_types=[
            pltpu.VMEM((257,), jnp.float32),
            pltpu.VMEM((_L,), jnp.float32),
        ],
    )(relative_biases)


def _add_bias_body(f_ref, x_ref, o_ref):
    f = f_ref[0, 0, :]
    fb = jnp.broadcast_to(f[None, :], (_TQ, _L))
    bias = pltpu.roll(fb, _L - _TQ + 1, axis=1, stride=1, stride_axis=0)
    o_ref[...] = x_ref[...] + bias[None, :, :_TK]


def kernel(inputs, relative_biases):
    f_all = _build_windows(relative_biases)

    b = inputs.shape[0]
    grid = (_SQ // _TQ, _SQ // _TK)

    return pl.pallas_call(
        _add_bias_body,
        grid=grid,
        in_specs=[
            pl.BlockSpec((1, 1, _L), lambda qi, ki: (ki - qi + 7, 0, 0)),
            pl.BlockSpec((b, _TQ, _TK), lambda qi, ki: (0, qi, ki)),
        ],
        out_specs=pl.BlockSpec((b, _TQ, _TK), lambda qi, ki: (0, qi, ki)),
        out_shape=jax.ShapeDtypeStruct(inputs.shape, inputs.dtype),
    )(f_all, inputs)

# --- scband reference (transcript-rebuilt; emitter-appended) ---
"""Pipeline reference for scband-relative-biases-21053929685123 (READ-ONLY COPY).

The authoritative reference and input builder live on the scoring server;
editing this copy changes nothing except your own understanding.
"""

import jax, jax.numpy as jnp
import numpy as np

MAX_REL = 128

def setup_inputs(seed: int = 0) -> dict:
    key = jax.random.key(seed)
    k1, k2 = jax.random.split(key)
    inputs = jax.random.normal(k1, (16, 2048, 2048), dtype=jnp.float32)
    # learned bias table, shape (2*max_relative_attention + 1,) = (257,)
    relative_biases = jax.random.normal(k2, (2 * MAX_REL + 1,), dtype=jnp.float32) * 0.02
    return {"inputs": inputs, "relative_biases": relative_biases}

def reference(inputs, relative_biases):
    s_q = inputs.shape[-2]
    s_k = inputs.shape[-1]
    row = jnp.arange(s_k, dtype=jnp.int32)[None, :]
    col = jnp.arange(s_q, dtype=jnp.int32)[:, None]
    toeplitz_matrix = row - col + MAX_REL
    relative_positions = jnp.clip(toeplitz_matrix, 0, 2 * MAX_REL)
    bias = jnp.take(relative_biases, relative_positions, axis=0)
    return inputs + bias[None, :, :]

if __name__ == "__main__":
    import jax
    _d = setup_inputs()
    print(jax.jit(kernel)(*tuple(_d.values())))

</pallas_src>

<mosaic_0001>
#map = affine_map<(d0, d1) -> (0)>
#map1 = affine_map<(d0, d1) -> (0, 0, 0)>
module attributes {stable_mosaic.version = 14 : i64} {
  func.func @_sc_windows(%arg0: i32, %arg1: i32, %arg2: memref<257xf32, #tpu.memory_space<hbm>>, %arg3: memref<15x1x512xf32, #tpu.memory_space<hbm>>, %arg4: memref<257xf32, #tpu.memory_space<vmem>>, %arg5: memref<512xf32, #tpu.memory_space<vmem>>) attributes {dimension_semantics = [#tpu.dimension_semantics<core_parallel>, #tpu.dimension_semantics<subcore_parallel>], iteration_bounds = array<i64: 2, 16>, scalar_prefetch = 0 : i64, scratch_operands = 2 : i64, tpu.core_type = #tpu.core_type<sc_vector_subcore>, window_params = [{transform_indices = #map}, {transform_indices = #map1}]} {
    %mul3A = arith.constant 2 : i32
    %mul3A_0 = arith.muli %arg1, %mul3A : i32
    %add3A = arith.addi %mul3A_0, %arg0 : i32
    %lt3A = arith.constant 15 : i32
    %lt3A_1 = arith.cmpi slt, %add3A, %lt3A : i32
    %convert_element_type3A = arith.extui %lt3A_1 : i1 to i32
    %cond3A = arith.constant 0 : i32
    %cond3A_2 = arith.cmpi ne, %convert_element_type3A, %cond3A : i32
    scf.if %cond3A_2 {
      "tpu.region"() ({
        %run_scoped3A_8 = tpu.sem_alloc : memref<!tpu.dma_semaphore, #tpu.memory_space<semaphore_mem>>
        tpu.enqueue_dma source(%arg2 : memref<257xf32, #tpu.memory_space<hbm>>) target(%arg4 : memref<257xf32, #tpu.memory_space<vmem>>) target_semaphore(%run_scoped3A_8 : memref<!tpu.dma_semaphore, #tpu.memory_space<semaphore_mem>>)
        tpu.wait_dma2 semaphore(%run_scoped3A_8 : memref<!tpu.dma_semaphore, #tpu.memory_space<semaphore_mem>>) src(%arg2 : memref<257xf32, #tpu.memory_space<hbm>>) dst(%arg4 : memref<257xf32, #tpu.memory_space<vmem>>)
        tpu.yield
      }) : () -> ()
      %iota3A = tpu.iota {dimensions = array<i32: 0>} : vector<16xi32>
      %scan3A = arith.constant 0 : i32
      %scan3A_3 = arith.constant 0 : i32
      %scan3A_4 = arith.constant 32 : i32
      %scan3A_5 = arith.addi %scan3A_3, %scan3A_4 : i32
      %scan3A_6 = arith.constant 1 : i32
      scf.for %scan3A_8 = %scan3A_3 to %scan3A_5 step %scan3A_6  : i32 {
        %mul3A_9 = arith.constant 256 : i32
        %mul3A_10 = arith.muli %mul3A_9, %add3A : i32
        %mul3A_11 = arith.constant 16 : i32
        %mul3A_12 = arith.muli %mul3A_11, %scan3A_8 : i32
        %add3A_13 = arith.addi %mul3A_10, %mul3A_12 : i32
        %add3A_14 = vector.broadcast %add3A_13 : i32 to vector<16xi32>
        %add3A_15 = arith.addi %add3A_14, %iota3A : vector<16xi32>
        %sub3A = arith.constant 1919 : i32
        %sub3A_16 = vector.broadcast %sub3A : i32 to vector<16xi32>
        %sub3A_17 = arith.subi %add3A_15, %sub3A_16 : vector<16xi32>
        %jit3A = arith.constant 0 : i32
        %jit3A_18 = arith.constant 256 : i32
        %max3A = vector.broadcast %jit3A : i32 to vector<16xi32>
        %max3A_19 = arith.maxsi %max3A, %sub3A_17 : vector<16xi32>
        %min3A = vector.broadcast %jit3A_18 : i32 to vector<16xi32>
        %min3A_20 = arith.minsi %min3A, %max3A_19 : vector<16xi32>
        %gather3A = tpu.vector_load_idx %arg4[%min3A_20] : memref<257xf32, #tpu.memory_space<vmem>>[vector<16xi32>], vector<16xf32>,
        %mul3A_21 = arith.constant 16 : i32
        %mul3A_22 = arith.muli %mul3A_21, %scan3A_8 : i32
        %swap3A = arith.index_cast %mul3A_22 : i32 to index
        %swap3A_23 = tpu.vector_load %arg5[%swap3A] {strides = array<i32>} : memref<512xf32, #tpu.memory_space<vmem>>, vector<16xf32>,
        tpu.vector_store %arg5[%swap3A], %gather3A {strides = array<i32>} : memref<512xf32, #tpu.memory_space<vmem>>, vector<16xf32>,
      }
      %scan3A_7 = arith.constant 32 : i32
      %run_scoped3A = arith.constant 0 : i32
      "tpu.region"() ({
        %run_scoped3A_8 = tpu.sem_alloc : memref<!tpu.dma_semaphore, #tpu.memory_space<semaphore_mem>>
        %dma_start3A = arith.constant 0 : i32
        %dma_start3A_9 = tpu.memref_slice %arg3[%add3A, %run_scoped3A, %dma_start3A] : memref<15x1x512xf32, #tpu.memory_space<hbm>> -> memref<1x1x512xf32, #tpu.memory_space<hbm>>
        %dma_start3A_10 = tpu.memref_squeeze %dma_start3A_9 : memref<1x1x512xf32, #tpu.memory_space<hbm>> -> memref<512xf32, #tpu.memory_space<hbm>>
        %dma_start3A_11 = arith.constant 0 : i32
        %dma_start3A_12 = tpu.memref_slice %arg3[%add3A, %run_scoped3A, %dma_start3A_11] : memref<15x1x512xf32, #tpu.memory_space<hbm>> -> memref<1x1x512xf32, #tpu.memory_space<hbm>>
        %dma_start3A_13 = tpu.memref_squeeze %dma_start3A_12 : memref<1x1x512xf32, #tpu.memory_space<hbm>> -> memref<512xf32, #tpu.memory_space<hbm>>
        tpu.enqueue_dma source(%arg5 : memref<512xf32, #tpu.memory_space<vmem>>) target(%dma_start3A_13 : memref<512xf32, #tpu.memory_space<hbm>>) target_semaphore(%run_scoped3A_8 : memref<!tpu.dma_semaphore, #tpu.memory_space<semaphore_mem>>)
        %dma_wait3A = arith.constant 0 : i32
        %dma_wait3A_14 = tpu.memref_slice %arg3[%add3A, %run_scoped3A, %dma_wait3A] : memref<15x1x512xf32, #tpu.memory_space<hbm>> -> memref<1x1x512xf32, #tpu.memory_space<hbm>>
        %dma_wait3A_15 = tpu.memref_squeeze %dma_wait3A_14 : memref<1x1x512xf32, #tpu.memory_space<hbm>> -> memref<512xf32, #tpu.memory_space<hbm>>
        %dma_wait3A_16 = arith.constant 0 : i32
        %dma_wait3A_17 = tpu.memref_slice %arg3[%add3A, %run_scoped3A, %dma_wait3A_16] : memref<15x1x512xf32, #tpu.memory_space<hbm>> -> memref<1x1x512xf32, #tpu.memory_space<hbm>>
        %dma_wait3A_18 = tpu.memref_squeeze %dma_wait3A_17 : memref<1x1x512xf32, #tpu.memory_space<hbm>> -> memref<512xf32, #tpu.memory_space<hbm>>
        tpu.wait_dma2 semaphore(%run_scoped3A_8 : memref<!tpu.dma_semaphore, #tpu.memory_space<semaphore_mem>>) src(%arg5 : memref<512xf32, #tpu.memory_space<vmem>>) dst(%dma_wait3A_18 : memref<512xf32, #tpu.memory_space<hbm>>)
        tpu.yield
      }) : () -> ()
    } else {
    }
    return
  }
}

module attributes {stable_mosaic.version = 14 : i64} {
  func.func @_add_bias_body(%arg0: i32, %arg1: i32, %arg2: memref<1x1x512xf32, #tpu.memory_space<vmem>>, %arg3: memref<16x256x256xf32, #tpu.memory_space<vmem>>, %arg4: memref<16x256x256xf32, #tpu.memory_space<vmem>>) attributes {dimension_semantics = [#tpu.dimension_semantics<arbitrary>, #tpu.dimension_semantics<arbitrary>], iteration_bounds = array<i64: 8, 8>, scalar_prefetch = 0 : i64, scratch_operands = 0 : i64, tpu.core_type = #tpu.core_type<tc>, window_params = [{transform_indices = @transform_0, window_bounds = array<i64: 1, 1, 512>}, {transform_indices = @transform_1, window_bounds = array<i64: 16, 256, 256>}, {transform_indices = @transform_2, window_bounds = array<i64: 16, 256, 256>}]} {
    %get3A = arith.constant 0 : index
    %get3A_0 = arith.constant 0 : index
    %get3A_1 = arith.constant 0 : index
    %get3A_2 = vector.load %arg2[%get3A, %get3A_0, %get3A_1] : memref<1x1x512xf32, #tpu.memory_space<vmem>>, vector<1x1x512xf32>
    %get3A_3 = vector.shape_cast %get3A_2 : vector<1x1x512xf32> to vector<512xf32>
    %broadcast_in_dim3A = vector.shape_cast %get3A_3 : vector<512xf32> to vector<1x512xf32>
    %broadcast_in_dim3A_4 = vector.shape_cast %broadcast_in_dim3A : vector<1x512xf32> to vector<1x512xf32>
    %broadcast_in_dim3A_5 = vector.broadcast %broadcast_in_dim3A_4 : vector<1x512xf32> to vector<256x512xf32>
    %roll3A = arith.constant 257 : i32
    %roll3A_6 = tpu.dynamic_rotate %broadcast_in_dim3A_5 by %roll3A dim 1 {stride = 1 : si32, stride_dimension = 0 : si32} : vector<256x512xf32>, i32 -> vector<256x512xf32>
    %get3A_7 = arith.constant 0 : index
    %get3A_8 = arith.constant 0 : index
    %get3A_9 = arith.constant 0 : index
    %get3A_10 = vector.load %arg3[%get3A_7, %get3A_8, %get3A_9] : memref<16x256x256xf32, #tpu.memory_space<vmem>>, vector<16x256x256xf32>
    %slice3A = vector.extract_strided_slice %roll3A_6 {offsets = [0, 0], sizes = [256, 256], strides = [1, 1]} : vector<256x512xf32> to vector<256x256xf32>
    %broadcast_in_dim3A_11 = vector.shape_cast %slice3A : vector<256x256xf32> to vector<1x256x256xf32>
    %add3A = vector.broadcast %broadcast_in_dim3A_11 : vector<1x256x256xf32> to vector<16x256x256xf32>
    %add3A_12 = arith.addf %get3A_10, %add3A : vector<16x256x256xf32>
    %swap3A = arith.constant 0 : index
    %swap3A_13 = arith.constant 0 : index
    %swap3A_14 = arith.constant 0 : index
    %swap3A_15 = vector.load %arg4[%swap3A, %swap3A_13, %swap3A_14] : memref<16x256x256xf32, #tpu.memory_space<vmem>>, vector<16x256x256xf32>
    tpu.vector_store %arg4[%swap3A, %swap3A_13, %swap3A_14], %add3A_12 {strides = array<i32>} : memref<16x256x256xf32, #tpu.memory_space<vmem>>, vector<16x256x256xf32>,
    return
  }
  func.func @transform_0(%arg0: i32, %arg1: i32) -> (i32, i32, i32) {
    %sub3A = arith.subi %arg1, %arg0 : i32
    %add3A = arith.constant 7 : i32
    %add3A_0 = arith.addi %sub3A, %add3A : i32
    %c0_i32 = arith.constant 0 : i32
    %c0_i32_1 = arith.constant 0 : i32
    %c0_i32_2 = arith.constant 0 : i32
    return %add3A_0, %c0_i32, %c0_i32_1 : i32, i32, i32
  }
  func.func @transform_1(%arg0: i32, %arg1: i32) -> (i32, i32, i32) {
    %c0_i32 = arith.constant 0 : i32
    %c0_i32_0 = arith.constant 0 : i32
    return %c0_i32, %arg0, %arg1 : i32, i32, i32
  }
  func.func @transform_2(%arg0: i32, %arg1: i32) -> (i32, i32, i32) {
    %c0_i32 = arith.constant 0 : i32
    %c0_i32_0 = arith.constant 0 : i32
    return %c0_i32, %arg0, %arg1 : i32, i32, i32
  }
}

</mosaic_0001>

<sc_bundles>
// kernel: kernel.4.cloned.1.call-start
scs
__scs_entry_jumppad:
0x0: {  	(pc) =	sbr.rel $0x88, $3  }
0x1: {  	(tag) =	ssettag $0x0;
	lr =	simm.s32 $0x1  }
0x2: {  	[smem:$0x3F9F] =	sst lr;
	_ =	strace $0xD0000000  }
0x3: {  	_ = 	snop  }
0x4: {  	_ = 	snop  }
0x5: {  	_ = 	snop  }
0x6: {  	_ = 	snop  }
0x7: {  	_ = 	snop  }
__scs_overlays_trampoline_lowered:
0x8: {  	[smem:$0x3FAE] =	sst s0  }
0x9: {  	[smem:$0x3FAF] =	sst s1  }
0xa: {  	[smem:$0x3FB0] =	sst s2  }
0xb: {  	[smem:$0x3FB1] =	sst s3  }
0xc: {  	[smem:$0x3FB2] =	sst s4  }
0xd: {  	[smem:$0x3FB3] =	sst s5  }
0xe: {  	[smem:$0x3FB4] =	sst s6  }
0xf: {  	[smem:$0x3FB5] =	sst s7  }
0x10: {  	[smem:$0x3FB6] =	sst s8  }
0x11: {  	[smem:$0x3FB7] =	sst s9;
	s0 =	simm.s32 @!p0 $0x0  }
0x12: {  	s1 =	sld [smem:$0x3F9D];
	s0 =	simm.s32 @p0 $0x1  }
0x13: {  	[smem:$0x3FB8] =	sst s0;
	s0 =	simm.s32 @!p1 $0x0  }
0x14: {  	s2 =	sld [smem:$0x3F9C];
	s0 =	simm.s32 @p1 $0x1  }
0x15: {  	[smem:$0x3FB9] =	sst s0;
	s0 =	simm.s32 @!p2 $0x0  }
0x16: {  	s3 =	sld [smem:$0x3FDB];
	s0 =	simm.s32 @p2 $0x1  }
0x17: {  	s4 =	simm.s32 $0x1BF5;
	[smem:$0x3FBB] =	sst s0  }
0x18: {  	s0 =	sld [smem:$0x3F9E];
	_ =	swait.ge [sflag:s4], $0x0  }
0x19: {  	s7 =	sld [smem:$0x3F9F]  }
0x1a: {  	s8 =	sadd.s32 $0xFFFFE003, lr  }
0x1b: {  	s9 =	sadd.s32 $0xFFFFFEF7, lr;
	s5 =	simm.s32 $0xFFFFFFFF;
	p2 =	slt.u32 s8, $0xFFFFF086  }
0x1c: {  	p1 =	slt.u32 s9, $0xF7A;
	s5 =	simm.s32 @!p2 $0x0  }
0x1d: {  	s5 =	simm.s32 @p1 $0x1;
	p0 =	seq.s32 s7, s2  }
0x1e: {  	s7 =	smul.u32 @!p0 $0xF7A, s2;
	p2 =	seq.s32 @!p0 s5, $0x0  }
0x1f: {  	s9 =	smul.u32 $0xF7A, s1;
	s8 =	simm.s32 @!p0 $0x1BF5;
	p2 =	por !p2, p0  }
0x20: {  	[sflag:s8] =	ssyncset.s32 @!p0 $0xFFFFF086;
	s6 =	sadd.s32 @!p0 s3, s7;
	s7 =	simm.s32 @!p0 $0x108  }
0x21: {  	s3 =	sadd.s32 s3, s9;
	s6 =	sadd.s32 @!p0 $0x88, s6;
	s7 =	simm.s32 @p2 $0x1082  }
0x22: {  	[simem:s7], [sflag:s8] =	dma.local @!p0 [hbm:s6], $0xF7A  }
0x23: {  	s9 =	sor.u32 $0xD0000000, s2;
	s6 =	simm.s32 $0x108;
	_ =	swait.ge @!p0 [sflag:s8], $0x0  }
0x24: {  	s3 =	sadd.s32 $0x88, s3;
	s6 =	simm.s32 @!p1 $0x1082;
	[sflag:s4] =	ssyncset.s32 $0xFFFFF086  }
0x25: {  	[simem:s6], [sflag:s4] =	dma.local [hbm:s3], $0xF7A  }
0x26: {  	[smem:$0x3F9F] =	sst s1;
	(tag) =	ssettag s2;
	_ =	strace s9  }
0x27: {  	s1 =	sld [smem:$0x3FAF]  }
0x28: {  	s2 =	sld [smem:$0x3FB0]  }
0x29: {  	s4 =	sld [smem:$0x3FB2]  }
0x2a: {  	p0 =	seq.s32 s5, $0x0;
	s5 =	sld [smem:$0x3FB3]  }
0x2b: {  	s6 =	sld [smem:$0x3FB4]  }
0x2c: {  	s7 =	sld [smem:$0x3FB5]  }
0x2d: {  	s3 =	simm.s32 $0x108;
	s8 =	sld [smem:$0x3FB6]  }
0x2e: {  	s3 =	simm.s32 @!p0 $0x1082;
	s9 =	sld [smem:$0x3FB7]  }
0x2f: {  	lr =	sadd.s32 s0, s3;
	s0 =	sld [smem:$0x3FAE]  }
0x30: {  	s3 =	sld [smem:$0x3FB1]  }
0x31: {  	[smem:$0x3FBA] =	sst s10  }
0x32: {  	s10 =	sld [smem:$0x3FB8];
	_ =	sdelay $0x3  }
0x33: {  	p0 =	seq.s32 s10, $0x1;
	s10 =	sld [smem:$0x3FBA];
	_ =	sdelay $0x3  }
0x34: {  	[smem:$0x3FBA] =	sst s10  }
0x35: {  	s10 =	sld [smem:$0x3FB9];
	_ =	sdelay $0x3  }
0x36: {  	p1 =	seq.s32 s10, $0x1;
	s10 =	sld [smem:$0x3FBA];
	_ =	sdelay $0x3  }
0x37: {  	[smem:$0x3FBA] =	sst s10  }
0x38: {  	s10 =	sld [smem:$0x3FBB]  }
0x39: {  	_ = 	snop;
	(pc) =	sbr.ind lr, $3  }
0x3a: {  	_ = 	snop  }
0x3b: {  	_ = 	snop  }
0x3c: {  	p2 =	seq.s32 s10, $0x1;
	s10 =	sld [smem:$0x3FBA]  }
0x3d: {  	_ =	shalt  }
0x3e: {  	_ =	shalt  }
0x3f: {  	_ =	shalt  }
0x40: {  	_ =	shalt  }
0x41: {  	_ =	shalt  }
0x42: {  	_ =	shalt  }
0x43: {  	_ =	shalt  }
0x44: {  	_ =	shalt  }
0x45: {  	_ =	shalt  }
0x46: {  	_ =	shalt  }
0x47: {  	_ =	shalt  }
0x48: {  	_ =	shalt  }
0x49: {  	_ =	shalt  }
0x4a: {  	_ =	shalt  }
0x4b: {  	_ =	shalt  }
0x4c: {  	_ =	shalt  }
0x4d: {  	_ =	shalt  }
0x4e: {  	_ =	shalt  }
0x4f: {  	_ =	shalt  }
0x50: {  	_ =	shalt  }
0x51: {  	_ =	shalt  }
0x52: {  	_ =	shalt  }
0x53: {  	_ =	shalt  }
0x54: {  	_ =	shalt  }
0x55: {  	_ =	shalt  }
0x56: {  	_ =	shalt  }
0x57: {  	_ =	shalt  }
0x58: {  	_ =	shalt  }
0x59: {  	_ =	shalt  }
0x5a: {  	_ =	shalt  }
0x5b: {  	_ =	shalt  }
0x5c: {  	_ =	shalt  }
0x5d: {  	_ =	shalt  }
0x5e: {  	_ =	shalt  }
0x5f: {  	_ =	shalt  }
0x60: {  	_ =	shalt  }
0x61: {  	_ =	shalt  }
0x62: {  	_ =	shalt  }
0x63: {  	_ =	shalt  }
0x64: {  	_ =	shalt  }
0x65: {  	_ =	shalt  }
0x66: {  	_ =	shalt  }
0x67: {  	_ =	shalt  }
0x68: {  	_ =	shalt  }
0x69: {  	_ =	shalt  }
0x6a: {  	_ =	shalt  }
0x6b: {  	_ =	shalt  }
0x6c: {  	_ =	shalt  }
0x6d: {  	_ =	shalt  }
0x6e: {  	_ =	shalt  }
0x6f: {  	_ =	shalt  }
0x70: {  	_ =	shalt  }
0x71: {  	_ =	shalt  }
0x72: {  	_ =	shalt  }
0x73: {  	_ =	shalt  }
0x74: {  	_ =	shalt  }
0x75: {  	_ =	shalt  }
0x76: {  	_ =	shalt  }
0x77: {  	_ =	shalt  }
0x78: {  	_ =	shalt  }
0x79: {  	_ =	shalt  }
0x7a: {  	_ =	shalt  }
0x7b: {  	_ =	shalt  }
0x7c: {  	_ =	shalt  }
0x7d: {  	_ =	shalt  }
0x7e: {  	_ =	shalt  }
0x7f: {  	_ =	shalt  }
0x80: {  	_ =	shalt  }
0x81: {  	_ =	shalt  }
0x82: {  	_ =	shalt  }
0x83: {  	_ =	shalt  }
0x84: {  	_ =	shalt  }
0x85: {  	_ =	shalt  }
0x86: {  	_ =	shalt  }
0x87: {  	_ =	shalt  }
.Lfunc_end0:
.L_simem_size_0:
called_computation_lowered:
.L_overlay_start_0:
0x88: {  	s2 =	sld [smem:$0x3FD9]  }
0x89: {  	s3 =	sld [smem:$0x3FFE];
	_ =	sdelay $0x1  }
0x8a: {  	s1 =	srdreg.scid  }
0x8b: {  	s0 =	sand.u32 $0x1, s1  }
0x8c: {  	s18 =	sshll.u32 s0, $0xA;
	s2 =	sadd.s32 s3, s2  }
0x8d: {  	s2 =	sadd.s32 s2, s18  }
0x8e: {  	[smem:$0x3FC6] =	sst s2  }
0x8f: {  	_ = 	snop  }
0x90: {  	s2 =	sld [smem:$0x3FC8]  }
0x91: {  	s19 =	sld [smem:$0x3FD0];
	(tm) =	ssettm $0x1  }
0x92: {  	s4 =	sld [smem:$0x3FFB];
	_ =	sdelay $0x3  }
0x93: {  	_ =	strace s4  }
0x94: {  	s4 =	sld [smem:$0x3FFC];
	_ =	sdelay $0x3  }
0x95: {  	_ =	strace s4  }
0x96: {  	s4 =	sld [smem:$0x3FFD];
	_ =	sdelay $0x3  }
0x97: {  	_ =	strace s4  }
0x98: {  	_ =	strace $0x8FFFFFFF  }
0x99: {  	s20 =	sld [smem:$0x3FDB];
	_ =	sdelay $0x1  }
0x9a: {  	s5 =	simm.s32 $_scs_section_size  }
0x9b: {  	s6 =	simm.s32 $_size__tile_overlayer_lowered;
	s7 =	simm.s32 $_tile_overlayer_lowered  }
0x9c: {  	s23 =	simm.s32 $0x1BFF;
	s22 =	sshll.u32 s7, $0x1;
	s4 =	sadd.s32 s5, s20  }
0x9d: {  	s8 =	simm.s32 $0x0;
	s21 =	sshll.u32 s6, $0x1;
	s6 =	sadd.s32 s22, s4  }
0x9e: {  	[timem:s8], [sflag:s23] =	dma.local [hbm:s6], s21  }
0x9f: {  	_ =	swait.ge [sflag:s23], s21  }
0xa0: {  	s5 =	ssub.s32 $0x0, s21;
	[sflag:s23] =	ssyncset.done $0x0  }
0xa1: {  	[sflag:s23] =	ssyncadd.s32 s5;
	_ =	sdelay $0x1  }
0xa2: {  	s24 =	simm.s32 $0x1B8B  }
0xa3: {  	_ =	swait.ge [sflag:s24], $0x1  }
0xa4: {  	[sflag:s24] =	ssyncset.done $0x0  }
0xa5: {  	s25 =	simm.s32 $0x1B8E;
	[sflag:s24] =	ssyncadd.s32 $0xFFFFFFFF  }
0xa6: {  	s26 =	simm.s32 $execute0_lowered;
	[smem:$0x3FD2] =	sst s25  }
0xa7: {  	s5 =	sshll.u32 s26, $0x1;
	_ =	strace $0x80000046;
	[dreg:$0x1] =	wrdreg $0xFFFFFFFF  }
0xa8: {  	s28 =	simm.s32 $_size_execute0_lowered;
	s4 =	sadd.s32 s4, s5;
	[dreg:$0x0] =	wrdreg $0x0  }
0xa9: {  	s5 =	sshll.u32 s28, $0x1;
	[dreg:$0x2] =	wrdreg s4  }
0xaa: {  	[dreg:$0x3] =	wrdreg s5  }
0xab: {  	[dreg:$0x4] =	wrdreg $0xC0  }
0xac: {  	_ =	task [dreg:s8], $0x5FFFF  }
0xad: {  	[dreg:$0x1] =	wrdreg $0xFFFFFFFF  }
0xae: {  	[dreg:$0x0] =	wrdreg $0x60  }
0xaf: {  	[dreg:$0x2] =	wrdreg s2  }
0xb0: {  	[dreg:$0x3] =	wrdreg s19  }
0xb1: {  	[dreg:$0x4] =	wrdreg $0x9  }
0xb2: {  	_ =	task.clear_ibuf [dreg:s8], $0x5FFFF;
	_ =	strace $0x90000046  }
0xb3: {  	s29 =	simm.s32 $0x9;
	_ =	strace $0x80000048  }
0xb4: {  	_ =	swait.ge [sflag:s29], $0x1  }
0xb5: {  	[sflag:s29] =	ssyncadd.s32 $0xFFFFFFFF  }
0xb6: {  	_ =	strace $0x90000048  }
0xb7: {  	_ =	sfence  }
0xb8: {  	s30 =	sld [smem:$0x0];
	_ =	sdelay $0x2  }
0xb9: {  	s31 =	sshll.u32 s1, $0xD;
	s1 =	sshrl.u32 s1, $0x2  }
0xba: {  	s3 =	sand.u32 $0x4000, s31;
	s1 =	sadd.s32 s1, s30  }
0xbb: {  	s0 =	sor.u32 s3, s0;
	s1 =	sshll.u32 s1, $0x11  }
0xbc: {  	s0 =	sor.u32 s1, s0  }
0xbd: {  	s0 =	sadd.s32 $0x8F2B, s0  }
0xbe: {  	[sflag:s0] =	ssyncadd.remote.s32 $0x1  }
0xbf: {  	_ =	sfence.sel $0xFFFF  }
0xc0: {  	[dreg:$0x0] =	wrdreg $0xFFFFFFFF;
	(pc) =	sbr.abs _section_cstart, $3  }
0xc1: {  	[dreg:$0x1] =	wrdreg $0xFFFFFFFF  }
0xc2: {  	_ =	task.clear_ibuf [dreg:s8], $0x2FFFF;
	_ =	strace $0x9FFFFFFF  }
0xc3: {  	(tm) =	ssettm $0x7FFFFFFF  }
tec
execute0_lowered:
.L_overlay_start_1:
0x0: {  	(tag) =	ssettag $0x1  }
0x1: {  	s1 =	srdreg.scid;
	s0 =	stileid.u32  }
0x2: {  	s4 =	sand.u32 $0x1, s1;
	s6 =	sshll.u32 s0, $0x1  }
0x3: {  	s6 =	sor.u32 s4, s6  }
0x4: {  	p0 =	sgt.u32 s6, $0xE  }
.Ltmp0:
0x5: {  	_ = 	snop;
	(pc) =	sbr.rel @p0 .LBB2_5-.Ltmp0, $4  }
0x6: {  	s2 =	rddreg [dreg:$0x0]  }
0x7: {  	s5 =	rddreg [dreg:$0x1];
	s3 =	simm.s32 $0x0  }
0x8: {  	[smem:$0x7FF] =	sst s3  }
0x9: {  	s1 =	rddreg [dreg:$0x2];
	_ =	strace $0x80000047  }
0xa: {  	s4 =	ssub.s32 $0x2, s4  }
0xb: {  	s8 =	sshll.u32 s6, $0x6;
	s9 =	simm.s32 $0x0;
	s7 =	sshrl.u32 s4, $0x1  }
0xc: {  	v0 =	vlaneseq.u32;
	s5 =	sadd.s32 s5, s8;
	s8 =	simm.s32 $0x180;
	s7 =	ssub.s32 s4, s7  }
0xd: {  	v0 =	vadd.s32 $0xFFFFF881, v0;
	s4 =	sshll.u32 s6, $0x8;
	s6 =	smax.u32 s7, $0x1;
	s7 =	simm.s32 $0x1  }
.LBB2_2:
0xe: {  	v1 =	vadd.s32 s4, v0  }
0xf: {  	vm0 =	vgt.s32 v1, $0x0  }
0x10: {  	v1 =	vnsel vm0, $0x0, v1  }
0x11: {  	s10 =	simm.s32 $0x0;
	v1 =	vmin.u32 v1, $0x100  }
0x12: {  	[tilespmem:s10], [sflag:$0x1] =	stream.linear.gather [hbm4b:s2+s10], $0x180, $0x38;
	[tilespmem:$0x380] =	vst v63  }
0x13: {  	_ =	swait.ge [sflag:s7], $0x180  }
0x14: {  	s12 =	sadd.s32 $0x10, s4;
	[sflag:s7] =	ssyncset.done $0x0  }
0x15: {  	s11 =	simm.s32 $0x40;
	s13 =	simm.s32 $0x80;
	v2 =	vadd.s32 s12, v0;
	[sflag:s7] =	ssyncadd.s32 $0xFFFFFE80  }
.LBB2_3:
0x16: {  	p0 =	sne.s32 s13, $0x7C0;
	vm0 =	vgt.s32 v2, $0x0;
	v3 =	vld.idx.msk [tilespmem:v1+s3+$0x0], $0xffff  }
0x17: {  	v1 =	vnsel vm0, $0x0, v2  }
.Ltmp1:
0x18: {  	v1 =	vmin.u32 v1, $0x100;
	(pc) =	sbr.rel @p0 .LBB2_3-.Ltmp1, $3  }
0x19: {  	_ =	sdelay $0x1  }
0x1a: {  	s12 =	sadd.s32 $0x10, s12;
	s14 =	sshra.s32 s10, $0x2;
	s10 =	smov.u32 s11  }
0x1b: {  	s11 =	smov.u32 s13;
	s13 =	sadd.s32 $0x40, s13;
	v2 =	vadd.s32 s12, v0;
	[tilespmem:s14+$0x180] =	vst v3  }
0x1c: {  	_ =	sdelay $0x2  }
0x1d: {  	vm0 =	vgt.s32 v2, $0x0  }
0x1e: {  	v1 =	vld.idx.msk [tilespmem:v1+s3+$0x0], $0xffff;
	v2 =	vnsel vm0, $0x0, v2  }
0x1f: {  	v2 =	vmin.u32 v2, $0x100;
	_ =	sdelay $0x2  }
0x20: {  	s10 =	sshra.s32 s10, $0x2  }
0x21: {  	[tilespmem:s10+$0x180] =	vst v1  }
0x22: {  	v1 =	vld.idx.msk [tilespmem:v2+s3+$0x0], $0xffff;
	_ =	sdelay $0x2  }
0x23: {  	s9 =	sadd.s32 $0x1, s9  }
0x24: {  	s31 =	sshra.s32 s11, $0x2;
	p0 =	sne.s32 s9, s6  }
.Ltmp2:
0x25: {  	[tilespmem:s31+$0x180] =	vst v1;
	(pc) =	sbr.rel @p0 .LBB2_2-.Ltmp2, $4  }
0x26: {  	[hbm4b:s5+s3] =	stream.linear.scatter [tilespmem:s8], [sflag:$0x1], $0x200, $0x38;
	[tilespmem:$0x380] =	vst v63  }
0x27: {  	_ =	swait.ge [sflag:s7], $0x200  }
0x28: {  	[sflag:s7] =	ssyncset.done $0x0  }
0x29: {  	[sflag:s7] =	ssyncadd.s32 $0xFFFFFE00  }
.LBB2_5:
0x2a: {  	_ =	sfence.sel $0x180000  }
0x2b: {  	[bflag:$0x0] =	sbarrier.arrive $0xFFFF  }
0x2c: {  	p0 =	sne.s32 s0, $0x0;
	_ =	strace $0x90000047  }
0x2d: {  	s0 =	sadd.s32 @!p0 $0x100000, s1;
	[bflag:$0x2] =	sbarrier.arrive $0xFFFF  }
0x2e: {  	[sflag:s0] =	ssyncadd.tile.s32 @!p0 $0x1;
	_ =	shalt  }
.Lfunc_end2:
_tile_overlayer_lowered:
.L_overlay_start_2:
0x2f: {  	(tag) =	ssettag $0x2  }
0x30: {  	s0 =	rddreg [dreg:$0x0];
	s2 =	stileid.u32  }
0x31: {  	s1 =	rddreg [dreg:$0x1];
	p0 =	sne.s32 s2, $0x0  }
0x32: {  	s3 =	rddreg [dreg:$0x2];
	[bflag:$0x3] =	sbarrier.arrive $0xFFFF;
	s2 =	simm.s32 @!p0 $0x1C01  }
0x33: {  	[timem:s3], [sflag:s2] =	dma.local @!p0 [hbm:s0], s1  }
0x34: {  	s0 =	simm.s32 @!p0 $0x1  }
0x35: {  	_ =	swait.ge @!p0 [sflag:s0], s1  }
0x36: {  	s1 =	ssub.s32 @!p0 $0x0, s1;
	[sflag:s0] =	ssyncset.done @!p0 $0x0  }
0x37: {  	[sflag:s0] =	ssyncadd.s32 @!p0 s1  }
0x38: {  	[bflag:$0x3] =	sbarrier.arrive $0xFFFF  }
0x39: {  	_ =	shalt  }

</sc_bundles>
